<compile_context>
chip_gen: v7x
topology: tpu7x:2x2x1
jax: 0.10.2.dev20260603
libtpu: 0.0.44.dev20260713+nightly
codegen_flags: <defaults>
</compile_context>

<pallas_src>
import jax
import jax.numpy as jnp
from jax import lax
from jax.experimental import pallas as pl
from jax.experimental.pallas import tpu as pltpu
from jax.experimental.pallas import tpu_sc as plsc

B, L = 16384, 200
N = B * L
NW = 32
PER_W = N // NW
C = 3200
BPC = C // L
KS = C // 128
STEPS = C // 16
NCH = PER_W // C

V = 1000000
RT = 2000
NBLK = V // RT


def _tbl_body(wt_h, out_h, cols_v, outt_v, sem):
    cid = lax.axis_index("c")
    sid = lax.axis_index("s")
    wid = sid * 2 + cid

    iota = lax.iota(jnp.int32, 16)
    iodiv8 = iota // 8
    cmod8 = iota - iodiv8 * 8
    cpat = cmod8 % 4

    def block(i, carry):
        t = wid + i * NW

        @pl.when(t < NBLK)
        def _():
            off = pl.multiple_of(t * RT, 8)
            for c in range(4):
                pltpu.sync_copy(wt_h.at[c, pl.ds(off, RT)], cols_v.at[c])

            def vec(k, c2):
                rv = iodiv8 + k * 2
                v = plsc.load_gather(cols_v, [cpat, rv])
                plsc.store_scatter(outt_v, [rv, cmod8], v)
                return c2

            lax.fori_loop(0, RT // 2, vec, 0, unroll=4)
            pltpu.sync_copy(outt_v, out_h.at[pl.ds(off, RT)])
        return carry

    lax.fori_loop(0, (NBLK + NW - 1) // NW, block, 0, unroll=False)


@jax.jit
def _sc_build_table(wt):
    mesh = plsc.VectorSubcoreMesh(core_axis_name="c", subcore_axis_name="s")
    out = pl.kernel(
        _tbl_body,
        out_type=jax.ShapeDtypeStruct((V, 8), jnp.float32),
        mesh=mesh,
        scratch_types=[
            pltpu.VMEM((4, RT), jnp.float32),
            pltpu.VMEM((RT, 8), jnp.float32),
            pltpu.SemaphoreType.DMA,
        ],
        compiler_params=pltpu.CompilerParams(
            use_tc_tiling_on_sc=False, needs_layout_passes=False),
    )(wt)
    return out


def _body(occ_h, hold_h, con_h, wocc_h, wh_h, wc_h, out_h,
          idxo_v, idxh_v, idxc_v, rows_v, outb_v, tblh_v, tblc_v, sem, osem):
    cid = lax.axis_index("c")
    sid = lax.axis_index("s")
    wid = sid * 2 + cid

    pltpu.sync_copy(wh_h, tblh_v)
    pltpu.sync_copy(wc_h, tblc_v)

    iota = lax.iota(jnp.int32, 16)
    iodiv4 = iota // 4
    imod4 = iota - iodiv4 * 4
    tailmask = iota < 8
    col4 = jnp.full((16,), 4, jnp.int32)
    col5 = jnp.full((16,), 5, jnp.int32)
    col6 = jnp.full((16,), 6, jnp.int32)
    col7 = jnp.full((16,), 7, jnp.int32)

    def chunk(ch, carry):
        base = pl.multiple_of(wid * PER_W + ch * C, C)
        b0 = pl.multiple_of(base // L, BPC)

        pltpu.sync_copy(occ_h.at[pl.ds(base, C)], idxo_v)
        pltpu.sync_copy(hold_h.at[pl.ds(base, C)], idxh_v.at[pl.ds(0, C)])
        pltpu.sync_copy(con_h.at[pl.ds(base, C)], idxc_v.at[pl.ds(0, C)])

        cps = [
            pltpu.async_copy(wocc_h.at[idxo_v.at[pl.ds(j * 128, 128)]],
                             rows_v.at[pl.ds(j * 128, 128)], sem)
            for j in range(KS)
        ]
        for cp in cps:
            cp.wait()

        def brow(i, c2):
            ifull = iota * 0 + i
            jb = i * L

            def fill(vv, c3, mask):
                lv = vv * 16 + iota
                ih2 = idxh_v[pl.ds(jb + vv * 16, 16)] * 2
                h0 = plsc.load_gather(tblh_v, [ih2], mask=mask)
                h1 = plsc.load_gather(tblh_v, [ih2 + 1], mask=mask)
                plsc.store_scatter(outb_v, [ifull, col4, lv], h0, mask=mask)
                plsc.store_scatter(outb_v, [ifull, col5, lv], h1, mask=mask)
                ic2 = idxc_v[pl.ds(jb + vv * 16, 16)] * 2
                g0 = plsc.load_gather(tblc_v, [ic2], mask=mask)
                g1 = plsc.load_gather(tblc_v, [ic2 + 1], mask=mask)
                plsc.store_scatter(outb_v, [ifull, col6, lv], g0, mask=mask)
                plsc.store_scatter(outb_v, [ifull, col7, lv], g1, mask=mask)
                return c3

            lax.fori_loop(0, L // 16, lambda vv, c3: fill(vv, c3, None),
                          0, unroll=4)
            fill(L // 16, 0, tailmask)

            def vec(v, c3):
                lv4 = v * 4 + iodiv4
                val = plsc.load_gather(rows_v, [jb + lv4, imod4])
                plsc.store_scatter(outb_v, [ifull, imod4, lv4], val)
                return c3

            lax.fori_loop(0, L // 4, vec, 0, unroll=8)
            return c2

        lax.fori_loop(0, BPC, brow, 0, unroll=False)

        ocps = [
            pltpu.async_copy(outb_v.at[i], out_h.at[b0 + i], osem)
            for i in range(BPC)
        ]
        for cp in ocps:
            cp.wait()
        return carry

    lax.fori_loop(0, NCH, chunk, 0, unroll=False)


@jax.jit
def _sc_call(occ2, holdf, conf, wocc8, whf, wcf):
    mesh = plsc.VectorSubcoreMesh(core_axis_name="c", subcore_axis_name="s")
    return pl.kernel(
        _body,
        out_type=jax.ShapeDtypeStruct((B, 8, L), jnp.float32),
        mesh=mesh,
        scratch_types=[
            pltpu.VMEM((C,), jnp.int32),
            pltpu.VMEM((C + 16,), jnp.int32),
            pltpu.VMEM((C + 16,), jnp.int32),
            pltpu.VMEM((C, 8), jnp.float32),
            pltpu.VMEM((BPC, 8, L), jnp.float32),
            pltpu.VMEM((2000,), jnp.float32),
            pltpu.VMEM((2000,), jnp.float32),
            pltpu.SemaphoreType.DMA,
            pltpu.SemaphoreType.DMA,
        ],
        compiler_params=pltpu.CompilerParams(
            use_tc_tiling_on_sc=False, needs_layout_passes=False),
    )(occ2, holdf, conf, wocc8, whf, wcf)


def kernel(occ, hold, connection, W_occ, W_hold, W_con):
    occ2 = occ.reshape(N).astype(jnp.int32)
    holdf = hold.reshape(N).astype(jnp.int32)
    conf = connection.reshape(N).astype(jnp.int32)
    wocc8 = _sc_build_table(W_occ.T)
    whf = W_hold.reshape(2000)
    wcf = W_con.reshape(2000)
    out = _sc_call(occ2, holdf, conf, wocc8, whf, wcf)
    return jnp.transpose(out, (0, 2, 1))

# --- scband reference (transcript-rebuilt; emitter-appended) ---
"""Pipeline reference for scband-discrete-state-embedding-81913616269840 (READ-ONLY COPY).

The authoritative reference and input builder live on the scoring server;
editing this copy changes nothing except your own understanding.
"""

import jax, jax.numpy as jnp
import numpy as np

B, L = 16384, 200
MAX_BLOCKS, N_ROBOTS, N_REGIONS = 1000000, 1000, 1000
DIM_B, DIM_R, DIM_C = 4, 2, 2


def setup_inputs(seed: int = 0) -> dict:
    key = jax.random.key(seed)
    k1, k2, k3, k4, k5, k6 = jax.random.split(key, 6)
    occ = jax.random.randint(k1, (B, L), 0, MAX_BLOCKS, dtype=jnp.int64) if jax.config.jax_enable_x64 else jax.random.randint(k1, (B, L), 0, MAX_BLOCKS)
    hold = jax.random.randint(k2, (B, L), 0, N_ROBOTS)
    connection = jax.random.randint(k3, (B, L), 0, N_REGIONS)
    W_occ = jax.random.normal(k4, (MAX_BLOCKS, DIM_B), dtype=jnp.float32) * 0.02
    W_hold = jax.random.normal(k5, (N_ROBOTS, DIM_R), dtype=jnp.float32) * 0.02
    W_con = jax.random.normal(k6, (N_REGIONS, DIM_C), dtype=jnp.float32) * 0.02
    return {"occ": occ, "hold": hold, "connection": connection,
            "W_occ": W_occ, "W_hold": W_hold, "W_con": W_con}


def reference(occ, hold, connection, W_occ, W_hold, W_con):
    # nn.Embedding lookups: table[idx]
    e_occ = jnp.take(W_occ, occ, axis=0)          # [B, L, 4]
    e_hold = jnp.take(W_hold, hold, axis=0)       # [B, L, 2]
    e_con = jnp.take(W_con, connection, axis=0)   # [B, L, 2]
    # original forward computes the three embeddings; pack them as one tensor
    return jnp.concatenate([e_occ, e_hold, e_con], axis=-1)  # [B, L, 8]

if __name__ == "__main__":
    import jax
    _d = setup_inputs()
    print(jax.jit(kernel)(*tuple(_d.values())))

</pallas_src>

<mosaic_0001>
#map = affine_map<(d0, d1) -> (0, 0)>
module attributes {stable_mosaic.version = 14 : i64} {
  func.func @_tbl_body(%arg0: i32, %arg1: i32, %arg2: memref<4x1000000xf32, #tpu.memory_space<hbm>>, %arg3: memref<1000000x8xf32, #tpu.memory_space<hbm>>, %arg4: memref<4x2000xf32, #tpu.memory_space<vmem>>, %arg5: memref<2000x8xf32, #tpu.memory_space<vmem>>, %arg6: memref<!tpu.dma_semaphore, #tpu.memory_space<semaphore_mem>>) attributes {dimension_semantics = [#tpu.dimension_semantics<core_parallel>, #tpu.dimension_semantics<subcore_parallel>], iteration_bounds = array<i64: 2, 16>, scalar_prefetch = 0 : i64, scratch_operands = 3 : i64, tpu.core_type = #tpu.core_type<sc_vector_subcore>, window_params = [{transform_indices = #map}, {transform_indices = #map}]} {
    %mul3A = arith.constant 2 : i32
    %mul3A_0 = arith.muli %arg1, %mul3A : i32
    %add3A = arith.addi %mul3A_0, %arg0 : i32
    %iota3A = tpu.iota {dimensions = array<i32: 0>} : vector<16xi32>
    %jit3A = arith.constant 8 : i32
    %div3A = vector.broadcast %jit3A : i32 to vector<16xi32>
    %div3A_1 = arith.divsi %iota3A, %div3A : vector<16xi32>
    %sign3A = arith.constant 0 : i32
    %sign3A_2 = vector.broadcast %sign3A : i32 to vector<16xi32>
    %sign3A_3 = arith.cmpi sgt, %iota3A, %sign3A_2 : vector<16xi32>
    %sign3A_4 = arith.extui %sign3A_3 : vector<16xi1> to vector<16xi32>
    %sign3A_5 = arith.constant 0 : i32
    %sign3A_6 = vector.broadcast %sign3A_5 : i32 to vector<16xi32>
    %sign3A_7 = arith.cmpi slt, %iota3A, %sign3A_6 : vector<16xi32>
    %sign3A_8 = arith.extui %sign3A_7 : vector<16xi1> to vector<16xi32>
    %sign3A_9 = arith.subi %sign3A_4, %sign3A_8 : vector<16xi32>
    %sign3A_10 = arith.constant 0 : i32
    %sign3A_11 = arith.cmpi sgt, %jit3A, %sign3A_10 : i32
    %sign3A_12 = arith.extui %sign3A_11 : i1 to i32
    %sign3A_13 = arith.constant 0 : i32
    %sign3A_14 = arith.cmpi slt, %jit3A, %sign3A_13 : i32
    %sign3A_15 = arith.extui %sign3A_14 : i1 to i32
    %sign3A_16 = arith.subi %sign3A_12, %sign3A_15 : i32
    %ne3A = vector.broadcast %sign3A_16 : i32 to vector<16xi32>
    %ne3A_17 = arith.cmpi ne, %sign3A_9, %ne3A : vector<16xi32>
    %rem3A = vector.broadcast %jit3A : i32 to vector<16xi32>
    %rem3A_18 = arith.remsi %iota3A, %rem3A : vector<16xi32>
    %ne3A_19 = arith.constant 0 : i32
    %ne3A_20 = vector.broadcast %ne3A_19 : i32 to vector<16xi32>
    %ne3A_21 = arith.cmpi ne, %rem3A_18, %ne3A_20 : vector<16xi32>
    %and3A = arith.andi %ne3A_17, %ne3A_21 : vector<16xi1>
    %sub3A = arith.constant 1 : i32
    %sub3A_22 = vector.broadcast %sub3A : i32 to vector<16xi32>
    %sub3A_23 = arith.subi %div3A_1, %sub3A_22 : vector<16xi32>
    %select_n3A = arith.select %and3A, %sub3A_23, %div3A_1 : vector<16xi1>, vector<16xi32>
    %mul3A_24 = arith.constant 8 : i32
    %mul3A_25 = vector.broadcast %mul3A_24 : i32 to vector<16xi32>
    %mul3A_26 = arith.muli %select_n3A, %mul3A_25 : vector<16xi32>
    %sub3A_27 = arith.subi %iota3A, %mul3A_26 : vector<16xi32>
    %jit3A_28 = arith.constant 4 : i32
    %eq3A = arith.constant 0 : i32
    %eq3A_29 = arith.cmpi eq, %jit3A_28, %eq3A : i32
    %jit3A_30 = arith.constant 1 : i32
    %select_n3A_31 = arith.select %eq3A_29, %jit3A_30, %jit3A_28 : i32
    %rem3A_32 = vector.broadcast %select_n3A_31 : i32 to vector<16xi32>
    %rem3A_33 = arith.remsi %sub3A_27, %rem3A_32 : vector<16xi32>
    %ne3A_34 = arith.constant 0 : i32
    %ne3A_35 = vector.broadcast %ne3A_34 : i32 to vector<16xi32>
    %ne3A_36 = arith.cmpi ne, %rem3A_33, %ne3A_35 : vector<16xi32>
    %lt3A = arith.constant 0 : i32
    %lt3A_37 = vector.broadcast %lt3A : i32 to vector<16xi32>
    %lt3A_38 = arith.cmpi slt, %rem3A_33, %lt3A_37 : vector<16xi32>
    %lt3A_39 = arith.constant 0 : i32
    %lt3A_40 = arith.cmpi slt, %select_n3A_31, %lt3A_39 : i32
    %ne3A_41 = vector.broadcast %lt3A_40 : i1 to vector<16xi1>
    %ne3A_42 = vector.broadcast %ne3A_41 : vector<16xi1> to vector<16xi1>
    %ne3A_43 = arith.xori %lt3A_38, %ne3A_42 : vector<16xi1>
    %and3A_44 = arith.andi %ne3A_43, %ne3A_36 : vector<16xi1>
    %add3A_45 = vector.broadcast %select_n3A_31 : i32 to vector<16xi32>
    %add3A_46 = arith.addi %rem3A_33, %add3A_45 : vector<16xi32>
    %select_n3A_47 = arith.select %and3A_44, %add3A_46, %rem3A_33 : vector<16xi1>, vector<16xi32>
    %scan3A = arith.constant 0 : i32
    %scan3A_48 = arith.constant 0 : i32
    %scan3A_49 = arith.constant 16 : i32
    %scan3A_50 = arith.addi %scan3A_48, %scan3A_49 : i32
    %scan3A_51 = arith.constant 1 : i32
    scf.for %scan3A_53 = %scan3A_48 to %scan3A_50 step %scan3A_51  : i32 {
      %mul3A_54 = arith.constant 32 : i32
      %mul3A_55 = arith.muli %scan3A_53, %mul3A_54 : i32
      %add3A_56 = arith.addi %add3A, %mul3A_55 : i32
      %lt3A_57 = arith.constant 500 : i32
      %lt3A_58 = arith.cmpi slt, %add3A_56, %lt3A_57 : i32
      %convert_element_type3A = arith.extui %lt3A_58 : i1 to i32
      %cond3A = arith.constant 0 : i32
      %cond3A_59 = arith.cmpi ne, %convert_element_type3A, %cond3A : i32
      scf.if %cond3A_59 {
        %mul3A_60 = arith.constant 2000 : i32
        %mul3A_61 = arith.muli %add3A_56, %mul3A_60 : i32
        %multiple_of3A = tpu.assume_multiple %mul3A_61, 8 : i32
        %run_scoped3A = arith.constant 0 : i32
        %run_scoped3A_62 = arith.constant 0 : i32
        "tpu.region"() ({
          %run_scoped3A_75 = tpu.sem_alloc : memref<!tpu.dma_semaphore, #tpu.memory_space<semaphore_mem>>
          %dma_start3A = arith.constant 0 : i32
          %dma_start3A_76 = tpu.memref_slice %arg4[%run_scoped3A_62, %dma_start3A] : memref<4x2000xf32, #tpu.memory_space<vmem>> -> memref<1x2000xf32, #tpu.memory_space<vmem>>
          %dma_start3A_77 = tpu.memref_squeeze %dma_start3A_76 : memref<1x2000xf32, #tpu.memory_space<vmem>> -> memref<2000xf32, #tpu.memory_space<vmem>>
          %dma_start3A_78 = tpu.memref_slice %arg2[%run_scoped3A, %multiple_of3A] : memref<4x1000000xf32, #tpu.memory_space<hbm>> -> memref<1x2000xf32, #tpu.memory_space<hbm>>
          %dma_start3A_79 = tpu.memref_squeeze %dma_start3A_78 : memref<1x2000xf32, #tpu.memory_space<hbm>> -> memref<2000xf32, #tpu.memory_space<hbm>>
          %dma_start3A_80 = arith.constant 0 : i32
          %dma_start3A_81 = tpu.memref_slice %arg4[%run_scoped3A_62, %dma_start3A_80] : memref<4x2000xf32, #tpu.memory_space<vmem>> -> memref<1x2000xf32, #tpu.memory_space<vmem>>
          %dma_start3A_82 = tpu.memref_squeeze %dma_start3A_81 : memref<1x2000xf32, #tpu.memory_space<vmem>> -> memref<2000xf32, #tpu.memory_space<vmem>>
          %dma_start3A_83 = tpu.memref_slice %arg2[%run_scoped3A, %multiple_of3A] : memref<4x1000000xf32, #tpu.memory_space<hbm>> -> memref<1x2000xf32, #tpu.memory_space<hbm>>
          %dma_start3A_84 = tpu.memref_squeeze %dma_start3A_83 : memref<1x2000xf32, #tpu.memory_space<hbm>> -> memref<2000xf32, #tpu.memory_space<hbm>>
          tpu.enqueue_dma source(%dma_start3A_84 : memref<2000xf32, #tpu.memory_space<hbm>>) target(%dma_start3A_82 : memref<2000xf32, #tpu.memory_space<vmem>>) target_semaphore(%run_scoped3A_75 : memref<!tpu.dma_semaphore, #tpu.memory_space<semaphore_mem>>)
          %dma_wait3A = arith.constant 0 : i32
          %dma_wait3A_85 = tpu.memref_slice %arg4[%run_scoped3A_62, %dma_wait3A] : memref<4x2000xf32, #tpu.memory_space<vmem>> -> memref<1x2000xf32, #tpu.memory_space<vmem>>
          %dma_wait3A_86 = tpu.memref_squeeze %dma_wait3A_85 : memref<1x2000xf32, #tpu.memory_space<vmem>> -> memref<2000xf32, #tpu.memory_space<vmem>>
          %dma_wait3A_87 = tpu.memref_slice %arg2[%run_scoped3A, %multiple_of3A] : memref<4x1000000xf32, #tpu.memory_space<hbm>> -> memref<1x2000xf32, #tpu.memory_space<hbm>>
          %dma_wait3A_88 = tpu.memref_squeeze %dma_wait3A_87 : memref<1x2000xf32, #tpu.memory_space<hbm>> -> memref<2000xf32, #tpu.memory_space<hbm>>
          %dma_wait3A_89 = arith.constant 0 : i32
          %dma_wait3A_90 = tpu.memref_slice %arg4[%run_scoped3A_62, %dma_wait3A_89] : memref<4x2000xf32, #tpu.memory_space<vmem>> -> memref<1x2000xf32, #tpu.memory_space<vmem>>
          %dma_wait3A_91 = tpu.memref_squeeze %dma_wait3A_90 : memref<1x2000xf32, #tpu.memory_space<vmem>> -> memref<2000xf32, #tpu.memory_space<vmem>>
          %dma_wait3A_92 = tpu.memref_slice %arg2[%run_scoped3A, %multiple_of3A] : memref<4x1000000xf32, #tpu.memory_space<hbm>> -> memref<1x2000xf32, #tpu.memory_space<hbm>>
          %dma_wait3A_93 = tpu.memref_squeeze %dma_wait3A_92 : memref<1x2000xf32, #tpu.memory_space<hbm>> -> memref<2000xf32, #tpu.memory_space<hbm>>
          tpu.wait_dma2 semaphore(%run_scoped3A_75 : memref<!tpu.dma_semaphore, #tpu.memory_space<semaphore_mem>>) src(%dma_wait3A_93 : memref<2000xf32, #tpu.memory_space<hbm>>) dst(%dma_wait3A_91 : memref<2000xf32, #tpu.memory_space<vmem>>)
          tpu.yield
        }) : () -> ()
        %run_scoped3A_63 = arith.constant 1 : i32
        %run_scoped3A_64 = arith.constant 1 : i32
        "tpu.region"() ({
          %run_scoped3A_75 = tpu.sem_alloc : memref<!tpu.dma_semaphore, #tpu.memory_space<semaphore_mem>>
          %dma_start3A = arith.constant 0 : i32
          %dma_start3A_76 = tpu.memref_slice %arg4[%run_scoped3A_64, %dma_start3A] : memref<4x2000xf32, #tpu.memory_space<vmem>> -> memref<1x2000xf32, #tpu.memory_space<vmem>>
          %dma_start3A_77 = tpu.memref_squeeze %dma_start3A_76 : memref<1x2000xf32, #tpu.memory_space<vmem>> -> memref<2000xf32, #tpu.memory_space<vmem>>
          %dma_start3A_78 = tpu.memref_slice %arg2[%run_scoped3A_63, %multiple_of3A] : memref<4x1000000xf32, #tpu.memory_space<hbm>> -> memref<1x2000xf32, #tpu.memory_space<hbm>>
          %dma_start3A_79 = tpu.memref_squeeze %dma_start3A_78 : memref<1x2000xf32, #tpu.memory_space<hbm>> -> memref<2000xf32, #tpu.memory_space<hbm>>
          %dma_start3A_80 = arith.constant 0 : i32
          %dma_start3A_81 = tpu.memref_slice %arg4[%run_scoped3A_64, %dma_start3A_80] : memref<4x2000xf32, #tpu.memory_space<vmem>> -> memref<1x2000xf32, #tpu.memory_space<vmem>>
          %dma_start3A_82 = tpu.memref_squeeze %dma_start3A_81 : memref<1x2000xf32, #tpu.memory_space<vmem>> -> memref<2000xf32, #tpu.memory_space<vmem>>
          %dma_start3A_83 = tpu.memref_slice %arg2[%run_scoped3A_63, %multiple_of3A] : memref<4x1000000xf32, #tpu.memory_space<hbm>> -> memref<1x2000xf32, #tpu.memory_space<hbm>>
          %dma_start3A_84 = tpu.memref_squeeze %dma_start3A_83 : memref<1x2000xf32, #tpu.memory_space<hbm>> -> memref<2000xf32, #tpu.memory_space<hbm>>
          tpu.enqueue_dma source(%dma_start3A_84 : memref<2000xf32, #tpu.memory_space<hbm>>) target(%dma_start3A_82 : memref<2000xf32, #tpu.memory_space<vmem>>) target_semaphore(%run_scoped3A_75 : memref<!tpu.dma_semaphore, #tpu.memory_space<semaphore_mem>>)
          %dma_wait3A = arith.constant 0 : i32
          %dma_wait3A_85 = tpu.memref_slice %arg4[%run_scoped3A_64, %dma_wait3A] : memref<4x2000xf32, #tpu.memory_space<vmem>> -> memref<1x2000xf32, #tpu.memory_space<vmem>>
          %dma_wait3A_86 = tpu.memref_squeeze %dma_wait3A_85 : memref<1x2000xf32, #tpu.memory_space<vmem>> -> memref<2000xf32, #tpu.memory_space<vmem>>
          %dma_wait3A_87 = tpu.memref_slice %arg2[%run_scoped3A_63, %multiple_of3A] : memref<4x1000000xf32, #tpu.memory_space<hbm>> -> memref<1x2000xf32, #tpu.memory_space<hbm>>
          %dma_wait3A_88 = tpu.memref_squeeze %dma_wait3A_87 : memref<1x2000xf32, #tpu.memory_space<hbm>> -> memref<2000xf32, #tpu.memory_space<hbm>>
          %dma_wait3A_89 = arith.constant 0 : i32
          %dma_wait3A_90 = tpu.memref_slice %arg4[%run_scoped3A_64, %dma_wait3A_89] : memref<4x2000xf32, #tpu.memory_space<vmem>> -> memref<1x2000xf32, #tpu.memory_space<vmem>>
          %dma_wait3A_91 = tpu.memref_squeeze %dma_wait3A_90 : memref<1x2000xf32, #tpu.memory_space<vmem>> -> memref<2000xf32, #tpu.memory_space<vmem>>
          %dma_wait3A_92 = tpu.memref_slice %arg2[%run_scoped3A_63, %multiple_of3A] : memref<4x1000000xf32, #tpu.memory_space<hbm>> -> memref<1x2000xf32, #tpu.memory_space<hbm>>
          %dma_wait3A_93 = tpu.memref_squeeze %dma_wait3A_92 : memref<1x2000xf32, #tpu.memory_space<hbm>> -> memref<2000xf32, #tpu.memory_space<hbm>>
          tpu.wait_dma2 semaphore(%run_scoped3A_75 : memref<!tpu.dma_semaphore, #tpu.memory_space<semaphore_mem>>) src(%dma_wait3A_93 : memref<2000xf32, #tpu.memory_space<hbm>>) dst(%dma_wait3A_91 : memref<2000xf32, #tpu.memory_space<vmem>>)
          tpu.yield
        }) : () -> ()
        %run_scoped3A_65 = arith.constant 2 : i32
        %run_scoped3A_66 = arith.constant 2 : i32
        "tpu.region"() ({
          %run_scoped3A_75 = tpu.sem_alloc : memref<!tpu.dma_semaphore, #tpu.memory_space<semaphore_mem>>
          %dma_start3A = arith.constant 0 : i32
          %dma_start3A_76 = tpu.memref_slice %arg4[%run_scoped3A_66, %dma_start3A] : memref<4x2000xf32, #tpu.memory_space<vmem>> -> memref<1x2000xf32, #tpu.memory_space<vmem>>
          %dma_start3A_77 = tpu.memref_squeeze %dma_start3A_76 : memref<1x2000xf32, #tpu.memory_space<vmem>> -> memref<2000xf32, #tpu.memory_space<vmem>>
          %dma_start3A_78 = tpu.memref_slice %arg2[%run_scoped3A_65, %multiple_of3A] : memref<4x1000000xf32, #tpu.memory_space<hbm>> -> memref<1x2000xf32, #tpu.memory_space<hbm>>
          %dma_start3A_79 = tpu.memref_squeeze %dma_start3A_78 : memref<1x2000xf32, #tpu.memory_space<hbm>> -> memref<2000xf32, #tpu.memory_space<hbm>>
          %dma_start3A_80 = arith.constant 0 : i32
          %dma_start3A_81 = tpu.memref_slice %arg4[%run_scoped3A_66, %dma_start3A_80] : memref<4x2000xf32, #tpu.memory_space<vmem>> -> memref<1x2000xf32, #tpu.memory_space<vmem>>
          %dma_start3A_82 = tpu.memref_squeeze %dma_start3A_81 : memref<1x2000xf32, #tpu.memory_space<vmem>> -> memref<2000xf32, #tpu.memory_space<vmem>>
          %dma_start3A_83 = tpu.memref_slice %arg2[%run_scoped3A_65, %multiple_of3A] : memref<4x1000000xf32, #tpu.memory_space<hbm>> -> memref<1x2000xf32, #tpu.memory_space<hbm>>
          %dma_start3A_84 = tpu.memref_squeeze %dma_start3A_83 : memref<1x2000xf32, #tpu.memory_space<hbm>> -> memref<2000xf32, #tpu.memory_space<hbm>>
          tpu.enqueue_dma source(%dma_start3A_84 : memref<2000xf32, #tpu.memory_space<hbm>>) target(%dma_start3A_82 : memref<2000xf32, #tpu.memory_space<vmem>>) target_semaphore(%run_scoped3A_75 : memref<!tpu.dma_semaphore, #tpu.memory_space<semaphore_mem>>)
          %dma_wait3A = arith.constant 0 : i32
          %dma_wait3A_85 = tpu.memref_slice %arg4[%run_scoped3A_66, %dma_wait3A] : memref<4x2000xf32, #tpu.memory_space<vmem>> -> memref<1x2000xf32, #tpu.memory_space<vmem>>
          %dma_wait3A_86 = tpu.memref_squeeze %dma_wait3A_85 : memref<1x2000xf32, #tpu.memory_space<vmem>> -> memref<2000xf32, #tpu.memory_space<vmem>>
          %dma_wait3A_87 = tpu.memref_slice %arg2[%run_scoped3A_65, %multiple_of3A] : memref<4x1000000xf32, #tpu.memory_space<hbm>> -> memref<1x2000xf32, #tpu.memory_space<hbm>>
          %dma_wait3A_88 = tpu.memref_squeeze %dma_wait3A_87 : memref<1x2000xf32, #tpu.memory_space<hbm>> -> memref<2000xf32, #tpu.memory_space<hbm>>
          %dma_wait3A_89 = arith.constant 0 : i32
          %dma_wait3A_90 = tpu.memref_slice %arg4[%run_scoped3A_66, %dma_wait3A_89] : memref<4x2000xf32, #tpu.memory_space<vmem>> -> memref<1x2000xf32, #tpu.memory_space<vmem>>
          %dma_wait3A_91 = tpu.memref_squeeze %dma_wait3A_90 : memref<1x2000xf32, #tpu.memory_space<vmem>> -> memref<2000xf32, #tpu.memory_space<vmem>>
          %dma_wait3A_92 = tpu.memref_slice %arg2[%run_scoped3A_65, %multiple_of3A] : memref<4x1000000xf32, #tpu.memory_space<hbm>> -> memref<1x2000xf32, #tpu.memory_space<hbm>>
          %dma_wait3A_93 = tpu.memref_squeeze %dma_wait3A_92 : memref<1x2000xf32, #tpu.memory_space<hbm>> -> memref<2000xf32, #tpu.memory_space<hbm>>
          tpu.wait_dma2 semaphore(%run_scoped3A_75 : memref<!tpu.dma_semaphore, #tpu.memory_space<semaphore_mem>>) src(%dma_wait3A_93 : memref<2000xf32, #tpu.memory_space<hbm>>) dst(%dma_wait3A_91 : memref<2000xf32, #tpu.memory_space<vmem>>)
          tpu.yield
        }) : () -> ()
        %run_scoped3A_67 = arith.constant 3 : i32
        %run_scoped3A_68 = arith.constant 3 : i32
        "tpu.region"() ({
          %run_scoped3A_75 = tpu.sem_alloc : memref<!tpu.dma_semaphore, #tpu.memory_space<semaphore_mem>>
          %dma_start3A = arith.constant 0 : i32
          %dma_start3A_76 = tpu.memref_slice %arg4[%run_scoped3A_68, %dma_start3A] : memref<4x2000xf32, #tpu.memory_space<vmem>> -> memref<1x2000xf32, #tpu.memory_space<vmem>>
          %dma_start3A_77 = tpu.memref_squeeze %dma_start3A_76 : memref<1x2000xf32, #tpu.memory_space<vmem>> -> memref<2000xf32, #tpu.memory_space<vmem>>
          %dma_start3A_78 = tpu.memref_slice %arg2[%run_scoped3A_67, %multiple_of3A] : memref<4x1000000xf32, #tpu.memory_space<hbm>> -> memref<1x2000xf32, #tpu.memory_space<hbm>>
          %dma_start3A_79 = tpu.memref_squeeze %dma_start3A_78 : memref<1x2000xf32, #tpu.memory_space<hbm>> -> memref<2000xf32, #tpu.memory_space<hbm>>
          %dma_start3A_80 = arith.constant 0 : i32
          %dma_start3A_81 = tpu.memref_slice %arg4[%run_scoped3A_68, %dma_start3A_80] : memref<4x2000xf32, #tpu.memory_space<vmem>> -> memref<1x2000xf32, #tpu.memory_space<vmem>>
          %dma_start3A_82 = tpu.memref_squeeze %dma_start3A_81 : memref<1x2000xf32, #tpu.memory_space<vmem>> -> memref<2000xf32, #tpu.memory_space<vmem>>
          %dma_start3A_83 = tpu.memref_slice %arg2[%run_scoped3A_67, %multiple_of3A] : memref<4x1000000xf32, #tpu.memory_space<hbm>> -> memref<1x2000xf32, #tpu.memory_space<hbm>>
          %dma_start3A_84 = tpu.memref_squeeze %dma_start3A_83 : memref<1x2000xf32, #tpu.memory_space<hbm>> -> memref<2000xf32, #tpu.memory_space<hbm>>
          tpu.enqueue_dma source(%dma_start3A_84 : memref<2000xf32, #tpu.memory_space<hbm>>) target(%dma_start3A_82 : memref<2000xf32, #tpu.memory_space<vmem>>) target_semaphore(%run_scoped3A_75 : memref<!tpu.dma_semaphore, #tpu.memory_space<semaphore_mem>>)
          %dma_wait3A = arith.constant 0 : i32
          %dma_wait3A_85 = tpu.memref_slice %arg4[%run_scoped3A_68, %dma_wait3A] : memref<4x2000xf32, #tpu.memory_space<vmem>> -> memref<1x2000xf32, #tpu.memory_space<vmem>>
          %dma_wait3A_86 = tpu.memref_squeeze %dma_wait3A_85 : memref<1x2000xf32, #tpu.memory_space<vmem>> -> memref<2000xf32, #tpu.memory_space<vmem>>
          %dma_wait3A_87 = tpu.memref_slice %arg2[%run_scoped3A_67, %multiple_of3A] : memref<4x1000000xf32, #tpu.memory_space<hbm>> -> memref<1x2000xf32, #tpu.memory_space<hbm>>
          %dma_wait3A_88 = tpu.memref_squeeze %dma_wait3A_87 : memref<1x2000xf32, #tpu.memory_space<hbm>> -> memref<2000xf32, #tpu.memory_space<hbm>>
          %dma_wait3A_89 = arith.constant 0 : i32
          %dma_wait3A_90 = tpu.memref_slice %arg4[%run_scoped3A_68, %dma_wait3A_89] : memref<4x2000xf32, #tpu.memory_space<vmem>> -> memref<1x2000xf32, #tpu.memory_space<vmem>>
          %dma_wait3A_91 = tpu.memref_squeeze %dma_wait3A_90 : memref<1x2000xf32, #tpu.memory_space<vmem>> -> memref<2000xf32, #tpu.memory_space<vmem>>
          %dma_wait3A_92 = tpu.memref_slice %arg2[%run_scoped3A_67, %multiple_of3A] : memref<4x1000000xf32, #tpu.memory_space<hbm>> -> memref<1x2000xf32, #tpu.memory_space<hbm>>
          %dma_wait3A_93 = tpu.memref_squeeze %dma_wait3A_92 : memref<1x2000xf32, #tpu.memory_space<hbm>> -> memref<2000xf32, #tpu.memory_space<hbm>>
          tpu.wait_dma2 semaphore(%run_scoped3A_75 : memref<!tpu.dma_semaphore, #tpu.memory_space<semaphore_mem>>) src(%dma_wait3A_93 : memref<2000xf32, #tpu.memory_space<hbm>>) dst(%dma_wait3A_91 : memref<2000xf32, #tpu.memory_space<vmem>>)
          tpu.yield
        }) : () -> ()
        %scan3A_69 = arith.constant 0 : i32
        %scan3A_70 = arith.constant 0 : i32
        %scan3A_71 = arith.constant 1000 : i32
        %scan3A_72 = arith.addi %scan3A_70, %scan3A_71 : i32
        %scan3A_73 = arith.constant 4 : i32
        scf.for %scan3A_75 = %scan3A_70 to %scan3A_72 step %scan3A_73  : i32 {
          %mul3A_76 = arith.constant 2 : i32
          %mul3A_77 = arith.muli %scan3A_75, %mul3A_76 : i32
          %add3A_78 = vector.broadcast %mul3A_77 : i32 to vector<16xi32>
          %add3A_79 = arith.addi %select_n3A, %add3A_78 : vector<16xi32>
          %gather3A = tpu.vector_load_idx %arg4[%select_n3A_47, %add3A_79] : memref<4x2000xf32, #tpu.memory_space<vmem>>[vector<16xi32>, vector<16xi32>], vector<16xf32>,
          tpu.vector_store_idx %arg5[%add3A_79, %sub3A_27], %gather3A : memref<2000x8xf32, #tpu.memory_space<vmem>>[vector<16xi32>, vector<16xi32>], vector<16xf32>,
          %scan3A_80 = arith.constant 1 : i32
          %scan3A_81 = arith.addi %scan3A_75, %scan3A_80 : i32
          %mul3A_82 = arith.constant 2 : i32
          %mul3A_83 = arith.muli %scan3A_81, %mul3A_82 : i32
          %add3A_84 = vector.broadcast %mul3A_83 : i32 to vector<16xi32>
          %add3A_85 = arith.addi %select_n3A, %add3A_84 : vector<16xi32>
          %gather3A_86 = tpu.vector_load_idx %arg4[%select_n3A_47, %add3A_85] : memref<4x2000xf32, #tpu.memory_space<vmem>>[vector<16xi32>, vector<16xi32>], vector<16xf32>,
          tpu.vector_store_idx %arg5[%add3A_85, %sub3A_27], %gather3A_86 : memref<2000x8xf32, #tpu.memory_space<vmem>>[vector<16xi32>, vector<16xi32>], vector<16xf32>,
          %scan3A_87 = arith.constant 2 : i32
          %scan3A_88 = arith.addi %scan3A_75, %scan3A_87 : i32
          %mul3A_89 = arith.constant 2 : i32
          %mul3A_90 = arith.muli %scan3A_88, %mul3A_89 : i32
          %add3A_91 = vector.broadcast %mul3A_90 : i32 to vector<16xi32>
          %add3A_92 = arith.addi %select_n3A, %add3A_91 : vector<16xi32>
          %gather3A_93 = tpu.vector_load_idx %arg4[%select_n3A_47, %add3A_92] : memref<4x2000xf32, #tpu.memory_space<vmem>>[vector<16xi32>, vector<16xi32>], vector<16xf32>,
          tpu.vector_store_idx %arg5[%add3A_92, %sub3A_27], %gather3A_93 : memref<2000x8xf32, #tpu.memory_space<vmem>>[vector<16xi32>, vector<16xi32>], vector<16xf32>,
          %scan3A_94 = arith.constant 3 : i32
          %scan3A_95 = arith.addi %scan3A_75, %scan3A_94 : i32
          %mul3A_96 = arith.constant 2 : i32
          %mul3A_97 = arith.muli %scan3A_95, %mul3A_96 : i32
          %add3A_98 = vector.broadcast %mul3A_97 : i32 to vector<16xi32>
          %add3A_99 = arith.addi %select_n3A, %add3A_98 : vector<16xi32>
          %gather3A_100 = tpu.vector_load_idx %arg4[%select_n3A_47, %add3A_99] : memref<4x2000xf32, #tpu.memory_space<vmem>>[vector<16xi32>, vector<16xi32>], vector<16xf32>,
          tpu.vector_store_idx %arg5[%add3A_99, %sub3A_27], %gather3A_100 : memref<2000x8xf32, #tpu.memory_space<vmem>>[vector<16xi32>, vector<16xi32>], vector<16xf32>,
        }
        %scan3A_74 = arith.constant 1000 : i32
        "tpu.region"() ({
          %run_scoped3A_75 = tpu.sem_alloc : memref<!tpu.dma_semaphore, #tpu.memory_space<semaphore_mem>>
          %dma_start3A = arith.constant 0 : i32
          %dma_start3A_76 = tpu.memref_slice %arg3[%multiple_of3A, %dma_start3A] : memref<1000000x8xf32, #tpu.memory_space<hbm>> -> memref<2000x8xf32, #tpu.memory_space<hbm>>
          %dma_start3A_77 = arith.constant 0 : i32
          %dma_start3A_78 = tpu.memref_slice %arg3[%multiple_of3A, %dma_start3A_77] : memref<1000000x8xf32, #tpu.memory_space<hbm>> -> memref<2000x8xf32, #tpu.memory_space<hbm>>
          tpu.enqueue_dma source(%arg5 : memref<2000x8xf32, #tpu.memory_space<vmem>>) target(%dma_start3A_78 : memref<2000x8xf32, #tpu.memory_space<hbm>>) target_semaphore(%run_scoped3A_75 : memref<!tpu.dma_semaphore, #tpu.memory_space<semaphore_mem>>)
          %dma_wait3A = arith.constant 0 : i32
          %dma_wait3A_79 = tpu.memref_slice %arg3[%multiple_of3A, %dma_wait3A] : memref<1000000x8xf32, #tpu.memory_space<hbm>> -> memref<2000x8xf32, #tpu.memory_space<hbm>>
          %dma_wait3A_80 = arith.constant 0 : i32
          %dma_wait3A_81 = tpu.memref_slice %arg3[%multiple_of3A, %dma_wait3A_80] : memref<1000000x8xf32, #tpu.memory_space<hbm>> -> memref<2000x8xf32, #tpu.memory_space<hbm>>
          tpu.wait_dma2 semaphore(%run_scoped3A_75 : memref<!tpu.dma_semaphore, #tpu.memory_space<semaphore_mem>>) src(%arg5 : memref<2000x8xf32, #tpu.memory_space<vmem>>) dst(%dma_wait3A_81 : memref<2000x8xf32, #tpu.memory_space<hbm>>)
          tpu.yield
        }) : () -> ()
      } else {
      }
    }
    %scan3A_52 = arith.constant 16 : i32
    return
  }
}

</mosaic_0001>

<sc_bundles>
// kernel: _sc_build_table.3.cloned.1.call-start
scs
__scs_entry_jumppad:
0x0: {  	(pc) =	sbr.rel $0x88, $3  }
0x1: {  	(tag) =	ssettag $0x0;
	lr =	simm.s32 $0x1  }
0x2: {  	[smem:$0x3FA0] =	sst lr;
	_ =	strace $0xD0000000  }
0x3: {  	_ = 	snop  }
0x4: {  	_ = 	snop  }
0x5: {  	_ = 	snop  }
0x6: {  	_ = 	snop  }
0x7: {  	_ = 	snop  }
__scs_overlays_trampoline_lowered:
0x8: {  	[smem:$0x3FAF] =	sst s0  }
0x9: {  	[smem:$0x3FB0] =	sst s1  }
0xa: {  	[smem:$0x3FB1] =	sst s2  }
0xb: {  	[smem:$0x3FB2] =	sst s3  }
0xc: {  	[smem:$0x3FB3] =	sst s4  }
0xd: {  	[smem:$0x3FB4] =	sst s5  }
0xe: {  	[smem:$0x3FB5] =	sst s6  }
0xf: {  	[smem:$0x3FB6] =	sst s7  }
0x10: {  	[smem:$0x3FB7] =	sst s8  }
0x11: {  	[smem:$0x3FB8] =	sst s9;
	s0 =	simm.s32 @!p0 $0x0  }
0x12: {  	s1 =	sld [smem:$0x3F9E];
	s0 =	simm.s32 @p0 $0x1  }
0x13: {  	[smem:$0x3FB9] =	sst s0;
	s0 =	simm.s32 @!p1 $0x0  }
0x14: {  	s2 =	sld [smem:$0x3F9D];
	s0 =	simm.s32 @p1 $0x1  }
0x15: {  	[smem:$0x3FBA] =	sst s0;
	s0 =	simm.s32 @!p2 $0x0  }
0x16: {  	s3 =	sld [smem:$0x3FDB];
	s0 =	simm.s32 @p2 $0x1  }
0x17: {  	s4 =	simm.s32 $0x1BF5;
	[smem:$0x3FBC] =	sst s0  }
0x18: {  	s0 =	sld [smem:$0x3F9F];
	_ =	swait.ge [sflag:s4], $0x0  }
0x19: {  	s7 =	sld [smem:$0x3FA0]  }
0x1a: {  	s8 =	sadd.s32 $0xFFFFE003, lr  }
0x1b: {  	s9 =	sadd.s32 $0xFFFFFEF7, lr;
	s5 =	simm.s32 $0xFFFFFFFF;
	p2 =	slt.u32 s8, $0xFFFFF086  }
0x1c: {  	p1 =	slt.u32 s9, $0xF7A;
	s5 =	simm.s32 @!p2 $0x0  }
0x1d: {  	s5 =	simm.s32 @p1 $0x1;
	p0 =	seq.s32 s7, s2  }
0x1e: {  	s7 =	smul.u32 @!p0 $0xF7A, s2;
	p2 =	seq.s32 @!p0 s5, $0x0  }
0x1f: {  	s9 =	smul.u32 $0xF7A, s1;
	s8 =	simm.s32 @!p0 $0x1BF5;
	p2 =	por !p2, p0  }
0x20: {  	[sflag:s8] =	ssyncset.s32 @!p0 $0xFFFFF086;
	s6 =	sadd.s32 @!p0 s3, s7;
	s7 =	simm.s32 @!p0 $0x108  }
0x21: {  	s3 =	sadd.s32 s3, s9;
	s6 =	sadd.s32 @!p0 $0x88, s6;
	s7 =	simm.s32 @p2 $0x1082  }
0x22: {  	[simem:s7], [sflag:s8] =	dma.local @!p0 [hbm:s6], $0xF7A  }
0x23: {  	s9 =	sor.u32 $0xD0000000, s2;
	s6 =	simm.s32 $0x108;
	_ =	swait.ge @!p0 [sflag:s8], $0x0  }
0x24: {  	s3 =	sadd.s32 $0x88, s3;
	s6 =	simm.s32 @!p1 $0x1082;
	[sflag:s4] =	ssyncset.s32 $0xFFFFF086  }
0x25: {  	[simem:s6], [sflag:s4] =	dma.local [hbm:s3], $0xF7A  }
0x26: {  	[smem:$0x3FA0] =	sst s1;
	(tag) =	ssettag s2;
	_ =	strace s9  }
0x27: {  	s1 =	sld [smem:$0x3FB0]  }
0x28: {  	s2 =	sld [smem:$0x3FB1]  }
0x29: {  	s4 =	sld [smem:$0x3FB3]  }
0x2a: {  	p0 =	seq.s32 s5, $0x0;
	s5 =	sld [smem:$0x3FB4]  }
0x2b: {  	s6 =	sld [smem:$0x3FB5]  }
0x2c: {  	s7 =	sld [smem:$0x3FB6]  }
0x2d: {  	s3 =	simm.s32 $0x108;
	s8 =	sld [smem:$0x3FB7]  }
0x2e: {  	s3 =	simm.s32 @!p0 $0x1082;
	s9 =	sld [smem:$0x3FB8]  }
0x2f: {  	lr =	sadd.s32 s0, s3;
	s0 =	sld [smem:$0x3FAF]  }
0x30: {  	s3 =	sld [smem:$0x3FB2]  }
0x31: {  	[smem:$0x3FBB] =	sst s10  }
0x32: {  	s10 =	sld [smem:$0x3FB9];
	_ =	sdelay $0x3  }
0x33: {  	p0 =	seq.s32 s10, $0x1;
	s10 =	sld [smem:$0x3FBB];
	_ =	sdelay $0x3  }
0x34: {  	[smem:$0x3FBB] =	sst s10  }
0x35: {  	s10 =	sld [smem:$0x3FBA];
	_ =	sdelay $0x3  }
0x36: {  	p1 =	seq.s32 s10, $0x1;
	s10 =	sld [smem:$0x3FBB];
	_ =	sdelay $0x3  }
0x37: {  	[smem:$0x3FBB] =	sst s10  }
0x38: {  	s10 =	sld [smem:$0x3FBC]  }
0x39: {  	_ = 	snop;
	(pc) =	sbr.ind lr, $3  }
0x3a: {  	_ = 	snop  }
0x3b: {  	_ = 	snop  }
0x3c: {  	p2 =	seq.s32 s10, $0x1;
	s10 =	sld [smem:$0x3FBB]  }
0x3d: {  	_ =	shalt  }
0x3e: {  	_ =	shalt  }
0x3f: {  	_ =	shalt  }
0x40: {  	_ =	shalt  }
0x41: {  	_ =	shalt  }
0x42: {  	_ =	shalt  }
0x43: {  	_ =	shalt  }
0x44: {  	_ =	shalt  }
0x45: {  	_ =	shalt  }
0x46: {  	_ =	shalt  }
0x47: {  	_ =	shalt  }
0x48: {  	_ =	shalt  }
0x49: {  	_ =	shalt  }
0x4a: {  	_ =	shalt  }
0x4b: {  	_ =	shalt  }
0x4c: {  	_ =	shalt  }
0x4d: {  	_ =	shalt  }
0x4e: {  	_ =	shalt  }
0x4f: {  	_ =	shalt  }
0x50: {  	_ =	shalt  }
0x51: {  	_ =	shalt  }
0x52: {  	_ =	shalt  }
0x53: {  	_ =	shalt  }
0x54: {  	_ =	shalt  }
0x55: {  	_ =	shalt  }
0x56: {  	_ =	shalt  }
0x57: {  	_ =	shalt  }
0x58: {  	_ =	shalt  }
0x59: {  	_ =	shalt  }
0x5a: {  	_ =	shalt  }
0x5b: {  	_ =	shalt  }
0x5c: {  	_ =	shalt  }
0x5d: {  	_ =	shalt  }
0x5e: {  	_ =	shalt  }
0x5f: {  	_ =	shalt  }
0x60: {  	_ =	shalt  }
0x61: {  	_ =	shalt  }
0x62: {  	_ =	shalt  }
0x63: {  	_ =	shalt  }
0x64: {  	_ =	shalt  }
0x65: {  	_ =	shalt  }
0x66: {  	_ =	shalt  }
0x67: {  	_ =	shalt  }
0x68: {  	_ =	shalt  }
0x69: {  	_ =	shalt  }
0x6a: {  	_ =	shalt  }
0x6b: {  	_ =	shalt  }
0x6c: {  	_ =	shalt  }
0x6d: {  	_ =	shalt  }
0x6e: {  	_ =	shalt  }
0x6f: {  	_ =	shalt  }
0x70: {  	_ =	shalt  }
0x71: {  	_ =	shalt  }
0x72: {  	_ =	shalt  }
0x73: {  	_ =	shalt  }
0x74: {  	_ =	shalt  }
0x75: {  	_ =	shalt  }
0x76: {  	_ =	shalt  }
0x77: {  	_ =	shalt  }
0x78: {  	_ =	shalt  }
0x79: {  	_ =	shalt  }
0x7a: {  	_ =	shalt  }
0x7b: {  	_ =	shalt  }
0x7c: {  	_ =	shalt  }
0x7d: {  	_ =	shalt  }
0x7e: {  	_ =	shalt  }
0x7f: {  	_ =	shalt  }
0x80: {  	_ =	shalt  }
0x81: {  	_ =	shalt  }
0x82: {  	_ =	shalt  }
0x83: {  	_ =	shalt  }
0x84: {  	_ =	shalt  }
0x85: {  	_ =	shalt  }
0x86: {  	_ =	shalt  }
0x87: {  	_ =	shalt  }
.Lfunc_end0:
.L_simem_size_0:
called_computation_lowered:
.L_overlay_start_0:
0x88: {  	s2 =	sld [smem:$0x3FD9]  }
0x89: {  	s3 =	sld [smem:$0x3FFE];
	_ =	sdelay $0x1  }
0x8a: {  	s1 =	srdreg.scid  }
0x8b: {  	s0 =	sand.u32 $0x1, s1  }
0x8c: {  	s17 =	sshll.u32 s0, $0xA;
	s2 =	sadd.s32 s3, s2  }
0x8d: {  	s2 =	sadd.s32 s2, s17  }
0x8e: {  	[smem:$0x3FC7] =	sst s2  }
0x8f: {  	_ = 	snop  }
0x90: {  	s2 =	sld [smem:$0x3FD0];
	(tm) =	ssettm $0x1  }
0x91: {  	s18 =	sld [smem:$0x3FFB];
	_ =	sdelay $0x3  }
0x92: {  	_ =	strace s18  }
0x93: {  	s3 =	sld [smem:$0x3FFC];
	_ =	sdelay $0x3  }
0x94: {  	_ =	strace s3  }
0x95: {  	s3 =	sld [smem:$0x3FFD];
	_ =	sdelay $0x3  }
0x96: {  	_ =	strace s3  }
0x97: {  	_ =	strace $0x8FFFFFFF  }
0x98: {  	s19 =	sld [smem:$0x3FDB];
	_ =	sdelay $0x1  }
0x99: {  	s4 =	simm.s32 $_scs_section_size  }
0x9a: {  	s5 =	simm.s32 $_size__tile_overlayer_lowered;
	s6 =	simm.s32 $_tile_overlayer_lowered  }
0x9b: {  	s22 =	simm.s32 $0x1BFF;
	s21 =	sshll.u32 s6, $0x1;
	s3 =	sadd.s32 s4, s19  }
0x9c: {  	s7 =	simm.s32 $0x0;
	s20 =	sshll.u32 s5, $0x1;
	s5 =	sadd.s32 s21, s3  }
0x9d: {  	[timem:s7], [sflag:s22] =	dma.local [hbm:s5], s20  }
0x9e: {  	_ =	swait.ge [sflag:s22], s20  }
0x9f: {  	s4 =	ssub.s32 $0x0, s20;
	[sflag:s22] =	ssyncset.done $0x0  }
0xa0: {  	[sflag:s22] =	ssyncadd.s32 s4;
	_ =	sdelay $0x1  }
0xa1: {  	s23 =	simm.s32 $0x1B8B  }
0xa2: {  	_ =	swait.ge [sflag:s23], $0x1  }
0xa3: {  	[sflag:s23] =	ssyncset.done $0x0  }
0xa4: {  	s25 =	simm.s32 $0x1B8E;
	s24 =	sld [smem:$0x3FFE];
	[sflag:s23] =	ssyncadd.s32 $0xFFFFFFFF  }
0xa5: {  	s26 =	simm.s32 $execute0_lowered;
	[smem:$0x3FD2] =	sst s25  }
0xa6: {  	s5 =	sshll.u32 s26, $0x1;
	_ =	strace $0x80000046;
	[dreg:$0x1] =	wrdreg $0xFFFFFFFF  }
0xa7: {  	s28 =	simm.s32 $_size_execute0_lowered;
	s3 =	sadd.s32 s3, s5;
	[dreg:$0x0] =	wrdreg $0x0  }
0xa8: {  	s5 =	sshll.u32 s28, $0x1;
	[dreg:$0x2] =	wrdreg s3  }
0xa9: {  	[dreg:$0x3] =	wrdreg s5  }
0xaa: {  	[dreg:$0x4] =	wrdreg $0xC0  }
0xab: {  	_ =	task [dreg:s7], $0x5FFFF  }
0xac: {  	[dreg:$0x1] =	wrdreg $0xFFFFFFFF  }
0xad: {  	[dreg:$0x0] =	wrdreg $0x60  }
0xae: {  	[dreg:$0x2] =	wrdreg s24  }
0xaf: {  	[dreg:$0x3] =	wrdreg s2  }
0xb0: {  	[dreg:$0x4] =	wrdreg $0x9  }
0xb1: {  	_ =	task.clear_ibuf [dreg:s7], $0x5FFFF;
	_ =	strace $0x90000046  }
0xb2: {  	s29 =	simm.s32 $0x9;
	_ =	strace $0x80000048  }
0xb3: {  	_ =	swait.ge [sflag:s29], $0x1  }
0xb4: {  	[sflag:s29] =	ssyncadd.s32 $0xFFFFFFFF  }
0xb5: {  	_ =	strace $0x90000048  }
0xb6: {  	_ =	sfence  }
0xb7: {  	s30 =	sld [smem:$0x0];
	_ =	sdelay $0x2  }
0xb8: {  	s31 =	sshll.u32 s1, $0xD;
	s1 =	sshrl.u32 s1, $0x2  }
0xb9: {  	s3 =	sand.u32 $0x4000, s31;
	s1 =	sadd.s32 s1, s30  }
0xba: {  	s0 =	sor.u32 s3, s0;
	s1 =	sshll.u32 s1, $0x11  }
0xbb: {  	s0 =	sor.u32 s1, s0  }
0xbc: {  	s0 =	sadd.s32 $0x8F2B, s0  }
0xbd: {  	[sflag:s0] =	ssyncadd.remote.s32 $0x1  }
0xbe: {  	_ =	sfence.sel $0xFFFF  }
0xbf: {  	[dreg:$0x0] =	wrdreg $0xFFFFFFFF;
	(pc) =	sbr.abs _section_cstart, $3  }
0xc0: {  	[dreg:$0x1] =	wrdreg $0xFFFFFFFF  }
0xc1: {  	_ =	task.clear_ibuf [dreg:s7], $0x2FFFF;
	_ =	strace $0x9FFFFFFF  }
0xc2: {  	(tm) =	ssettm $0x7FFFFFFF  }
0xc3: {  	_ =	shalt  }
tec
execute0_lowered:
.L_overlay_start_1:
0x0: {  	(tag) =	ssettag $0x1  }
0x1: {  	v0 =	vimm.s32 $0x1771;
	vm0 =	vcmask $0x300  }
0x2: {  	vm15 =	vcmask $0x704;
	v0 =	vsel vm0, $0x0, v0  }
0x3: {  	vm4 =	vcmask $0xB08;
	v0 =	vsel vm15, $0x7D0, v0  }
0x4: {  	vm5 =	vcmask $0xF0C;
	v0 =	vsel vm4, $0xFA0, v0  }
0x5: {  	vm6 =	vcmask $0x1310;
	v0 =	vsel vm5, $0x1770, v0  }
0x6: {  	vm7 =	vcmask $0x1714;
	v0 =	vsel vm6, $0x0, v0  }
0x7: {  	vm8 =	vcmask $0x1B18;
	s4 =	rddreg [dreg:$0x0];
	v0 =	vsel vm7, $0x7D0, v0  }
0x8: {  	vm9 =	vcmask $0x1F1C;
	s1 =	rddreg [dreg:$0x1];
	v0 =	vsel vm8, $0xFA0, v0  }
0x9: {  	s3 =	srdreg.scid;
	vm10 =	vcmask $0x2320;
	s0 =	rddreg [dreg:$0x2];
	s2 =	simm.s32 $0x0;
	v0 =	vsel vm9, $0x1770, v0  }
0xa: {  	vm11 =	vcmask $0x2724;
	s8 =	simm.s32 $0x2;
	s9 =	simm.s32 $0x7D0;
	s10 =	simm.s32 $0xFA0;
	v0 =	vsel vm10, $0x1, v0  }
.Ltmp0:
0xb: {  	vm12 =	vcmask $0x2B28;
	vm13 =	vcmask $0x3330;
	s11 =	simm.s32 $0x1770;
	s3 =	sand.u32 $0x1, s3;
	v0 =	vsel vm11, $0x7D1, v0;
	(pc) =	sbr.rel .LBB2_1-.Ltmp0, $4  }
0xc: {  	vm14 =	vcmask $0x3734;
	v3 =	vlaneseq.u32;
	s12 =	simm.s32 $0x1F40;
	s13 =	simm.s32 $0x1;
	s6 =	ssub.s32 $0x2, s3;
	v0 =	vsel vm12, $0xFA1, v0  }
0xd: {  	s14 =	simm.s32 $0x0;
	[smem:$0x7FF] =	sst s2;
	v1 =	vshrl.u32 v3, $0x3;
	v4 =	vand.u32 $0x3, v3;
	s7 =	sshrl.u32 s6, $0x1;
	v0 =	vsel vm13, $0x1, v0  }
0xe: {  	s5 =	sadd.s32 $0x400, s4;
	s4 =	stileid.u32;
	v3 =	vand.u32 $0x7, v3;
	vm15 =	vcmask $0x3B38;
	s7 =	ssub.s32 s6, s7;
	v0 =	vsel vm14, $0x7D1, v0  }
0xf: {  	_ =	strace $0x80000047;
	v2 =	vmul.u32 $0x8, v1;
	v4 =	vmul.u32 $0x7D0, v4;
	s6 =	sshll.u32 s4, $0x1;
	s7 =	smax.u32 s7, $0x1;
	v0 =	vsel vm15, $0xFA1, v0  }
.LBB2_7:
0x10: {  	s14 =	sadd.s32 $0x1, s14  }
0x11: {  	p0 =	sne.s32 s14, s7  }
.Ltmp1:
0x12: {  	_ = 	snop;
	(pc) =	sbr.rel @!p0 .LBB2_8-.Ltmp1, $1  }
0x13: {  	_ =	sdelay $0x3  }
.LBB2_1:
.Ltmp2:
0x14: {  	(pc) =	sbr.rel .LBB2_2-.Ltmp2, $2  }
0x15: {  	_ =	sdelay $0x2  }
0x16: {  	s15 =	simm.s32 $0x0  }
.LBB2_6:
0x17: {  	s15 =	sadd.s32 $0x1, s15  }
0x18: {  	p0 =	sne.s32 s15, $0x10  }
.Ltmp3:
0x19: {  	_ = 	snop;
	(pc) =	sbr.rel @!p0 .LBB2_7-.Ltmp3, $1  }
0x1a: {  	_ =	sdelay $0x3  }
.LBB2_2:
0x1b: {  	s16 =	sshll.u32 s15, $0x5  }
0x1c: {  	s16 =	sor.u32 s6, s16  }
0x1d: {  	p0 =	sgt.u32 s16, $0x1F3  }
.Ltmp4:
0x1e: {  	_ = 	snop;
	(pc) =	sbr.rel @p0 .LBB2_6-.Ltmp4, $1  }
0x1f: {  	_ =	sdelay $0x3  }
0x20: {  	s16 =	sor.u32 s3, s16  }
0x21: {  	s16 =	smul.u32 $0x7D0, s16;
	_ =	sdelay $0x1  }
0x22: {  	s17 =	sshrl.u32 s16, $0x3  }
0x23: {  	s17 =	sadd.s32 s5, s17  }
0x24: {  	[tilespmem:s2], [sflag:$0x2] =	stream.linear.gather [hbm4b:s17+s2], $0x7D0, $0x38;
	[tilespmem:$0x5DC0] =	vst v63  }
0x25: {  	_ =	swait.ge [sflag:s8], $0x7D0  }
0x26: {  	[sflag:s8] =	ssyncset.done $0x0  }
0x27: {  	s18 =	sadd.s32 $0x1E848, s17;
	[sflag:s8] =	ssyncadd.s32 $0xFFFFF830  }
0x28: {  	[tilespmem:s9], [sflag:$0x2] =	stream.linear.gather [hbm4b:s18+s2], $0x7D0, $0x38;
	[tilespmem:$0x5DC0] =	vst v63  }
0x29: {  	_ =	swait.ge [sflag:s8], $0x7D0  }
0x2a: {  	[sflag:s8] =	ssyncset.done $0x0  }
0x2b: {  	s26 =	sadd.s32 $0x3D090, s17;
	[sflag:s8] =	ssyncadd.s32 $0xFFFFF830  }
0x2c: {  	[tilespmem:s10], [sflag:$0x2] =	stream.linear.gather [hbm4b:s26+s2], $0x7D0, $0x38;
	[tilespmem:$0x5DC0] =	vst v63  }
0x2d: {  	_ =	swait.ge [sflag:s8], $0x7D0  }
0x2e: {  	s28 =	simm.s32 $0x0;
	[sflag:s8] =	ssyncset.done $0x0  }
0x2f: {  	v5 =	vadd.s32 s28, v0;
	s17 =	sadd.s32 $0x5B8D8, s17;
	[sflag:s8] =	ssyncadd.s32 $0xFFFFF830  }
0x30: {  	[tilespmem:s11], [sflag:$0x2] =	stream.linear.gather [hbm4b:s17+s2], $0x7D0, $0x38;
	[tilespmem:$0x5DC0] =	vst v63  }
0x31: {  	s29 =	simm.s32 $0x2;
	v6 =	vmov s28;
	_ =	swait.ge [sflag:s8], $0x7D0  }
0x32: {  	v7 =	vmov s29;
	v6 =	vshll.u32 v6, $0x3;
	[sflag:s8] =	ssyncset.done $0x0  }
0x33: {  	v7 =	vand.u32 $0x7FB, v7;
	v6 =	vor.u32 v2, v6;
	[sflag:s8] =	ssyncadd.s32 $0xFFFFF830  }
0x34: {  	v7 =	vor.u32 v1, v7;
	v6 =	vor.u32 v3, v6;
	v5 =	vld.idx.msk [tilespmem:v5+s2+$0x0], $0xffff  }
0x35: {  	v7 =	vadd.s32 v4, v7;
	_ =	sdelay $0x1  }
0x36: {  	s30 =	simm.s32 $0x4  }
0x37: {  	v8 =	vor.u32 s29, v1;
	v9 =	vmov s30  }
0x38: {  	[tilespmem:v6+s12+$0x0] =	vst.idx.msk $0xffff, v5;
	v5 =	vshll.u32 v8, $0x3;
	v6 =	vand.u32 $0x7FD, v9  }
0x39: {  	v7 =	vld.idx.msk [tilespmem:v7+s2+$0x0], $0xffff;
	v5 =	vor.u32 v3, v5;
	v6 =	vor.u32 v1, v6  }
0x3a: {  	v6 =	vadd.s32 v4, v6;
	_ =	sdelay $0x1  }
0x3b: {  	s31 =	simm.s32 $0x6  }
0x3c: {  	v63 =	vmov s31;
	v8 =	vor.u32 s30, v1  }
0x3d: {  	[tilespmem:v5+s12+$0x0] =	vst.idx.msk $0xffff, v7;
	v5 =	vshll.u32 v8, $0x3;
	v7 =	vand.u32 $0x7FF, v63  }
0x3e: {  	v6 =	vld.idx.msk [tilespmem:v6+s2+$0x0], $0xffff;
	v5 =	vor.u32 v3, v5;
	v7 =	vor.u32 v1, v7  }
0x3f: {  	v7 =	vadd.s32 v4, v7;
	_ =	sdelay $0x3  }
0x40: {  	[tilespmem:v5+s12+$0x0] =	vst.idx.msk $0xffff, v6;
	v6 =	vor.u32 s31, v1  }
0x41: {  	s18 =	simm.s32 $0xE;
	s17 =	simm.s32 $0x0;
	v5 =	vld.idx.msk [tilespmem:v7+s2+$0x0], $0xffff;
	v6 =	vshll.u32 v6, $0x3  }
.LBB2_4:
0x42: {  	s19 =	sadd.s32 $0xFFFFFFFA, s18;
	s17 =	sadd.s32 $0x4, s17;
	v6 =	vor.u32 v3, v6  }
0x43: {  	v7 =	vadd.s32 s19, v0;
	p0 =	slt.u32 s17, $0x3E4;
	_ =	sdelay $0x2  }
0x44: {  	v8 =	vmov s19;
	s19 =	sadd.s32 $0xFFFFFFFC, s18  }
0x45: {  	v8 =	vshll.u32 v8, $0x3;
	v9 =	vmov s19;
	[tilespmem:v6+s12+$0x0] =	vst.idx.msk $0xffff, v5  }
0x46: {  	v6 =	vor.u32 v2, v8;
	v5 =	vld.idx.msk [tilespmem:v7+s2+$0x0], $0xffff;
	v7 =	vand.u32 $0x7FB, v9  }
0x47: {  	v6 =	vor.u32 v3, v6;
	v7 =	vor.u32 v1, v7  }
0x48: {  	v7 =	vadd.s32 v4, v7;
	_ =	sdelay $0x2  }
0x49: {  	s20 =	sadd.s32 $0xFFFFFFFE, s18  }
0x4a: {  	[tilespmem:v6+s12+$0x0] =	vst.idx.msk $0xffff, v5;
	v5 =	vor.u32 s19, v1;
	v6 =	vmov s20  }
0x4b: {  	v7 =	vld.idx.msk [tilespmem:v7+s2+$0x0], $0xffff;
	v5 =	vshll.u32 v5, $0x3;
	v6 =	vand.u32 $0x7FD, v6  }
0x4c: {  	v5 =	vor.u32 v3, v5;
	v6 =	vor.u32 v1, v6  }
0x4d: {  	v6 =	vadd.s32 v4, v6;
	_ =	sdelay $0x3  }
0x4e: {  	[tilespmem:v5+s12+$0x0] =	vst.idx.msk $0xffff, v7;
	v5 =	vor.u32 s20, v1;
	v7 =	vmov s18  }
0x4f: {  	v6 =	vld.idx.msk [tilespmem:v6+s2+$0x0], $0xffff;
	v5 =	vshll.u32 v5, $0x3;
	v7 =	vand.u32 $0x7FF, v7  }
0x50: {  	v5 =	vor.u32 v3, v5;
	v7 =	vor.u32 v1, v7  }
0x51: {  	v7 =	vadd.s32 v4, v7  }
.Ltmp5:
0x52: {  	(pc) =	sbr.rel @p0 .LBB2_4-.Ltmp5, $3  }
0x53: {  	_ =	sdelay $0x1  }
0x54: {  	[tilespmem:v5+s12+$0x0] =	vst.idx.msk $0xffff, v6;
	v6 =	vor.u32 s18, v1  }
0x55: {  	s18 =	sadd.s32 $0x8, s18;
	v5 =	vld.idx.msk [tilespmem:v7+s2+$0x0], $0xffff;
	v6 =	vshll.u32 v6, $0x3  }
0x56: {  	v6 =	vor.u32 v3, v6;
	_ =	sdelay $0x4  }
.Ltmp6:
0x57: {  	s16 =	sadd.s32 s1, s16;
	[tilespmem:v6+s12+$0x0] =	vst.idx.msk $0xffff, v5;
	(pc) =	sbr.rel .LBB2_6-.Ltmp6, $4  }
0x58: {  	[hbm4b:s16+s2] =	stream.linear.scatter [tilespmem:s12], [sflag:$0x1], $0x3E80, $0x38;
	[tilespmem:$0x5DC0] =	vst v63  }
0x59: {  	_ =	swait.ge [sflag:s13], $0x3E80  }
0x5a: {  	[sflag:s13] =	ssyncset.done $0x0  }
0x5b: {  	[sflag:s13] =	ssyncadd.s32 $0xFFFFC180  }
.LBB2_8:
0x5c: {  	_ =	sfence.sel $0x180000  }
0x5d: {  	[bflag:$0x0] =	sbarrier.arrive $0xFFFF  }
0x5e: {  	p0 =	sne.s32 s4, $0x0;
	_ =	strace $0x90000047  }
0x5f: {  	s0 =	sadd.s32 @!p0 $0x100000, s0;
	[bflag:$0x2] =	sbarrier.arrive $0xFFFF  }
0x60: {  	[sflag:s0] =	ssyncadd.tile.s32 @!p0 $0x1;
	_ =	shalt  }
.Lfunc_end2:
_tile_overlayer_lowered:
.L_overlay_start_2:
0x61: {  	(tag) =	ssettag $0x2  }
0x62: {  	s0 =	rddreg [dreg:$0x0];
	s2 =	stileid.u32  }
0x63: {  	s1 =	rddreg [dreg:$0x1];
	p0 =	sne.s32 s2, $0x0  }
0x64: {  	s3 =	rddreg [dreg:$0x2];
	[bflag:$0x3] =	sbarrier.arrive $0xFFFF;
	s2 =	simm.s32 @!p0 $0x1C01  }
0x65: {  	[timem:s3], [sflag:s2] =	dma.local @!p0 [hbm:s0], s1  }
0x66: {  	s0 =	simm.s32 @!p0 $0x1  }
0x67: {  	_ =	swait.ge @!p0 [sflag:s0], s1  }
0x68: {  	s1 =	ssub.s32 @!p0 $0x0, s1;
	[sflag:s0] =	ssyncset.done @!p0 $0x0  }
0x69: {  	[sflag:s0] =	ssyncadd.s32 @!p0 s1  }
0x6a: {  	[bflag:$0x3] =	sbarrier.arrive $0xFFFF  }
0x6b: {  	_ =	shalt  }

</sc_bundles>
